<compile_context>
chip_gen: v7x
topology: tpu7x:2x2x1
jax: 0.10.2.dev20260603
libtpu: 0.0.44.dev20260713+nightly
codegen_flags: <defaults>
</compile_context>

<pallas_src>
import functools

import jax
import jax.numpy as jnp
from jax import lax
from jax.experimental import pallas as pl
from jax.experimental.pallas import tpu as pltpu, tpu_sc as plsc

_E = 8
_R = 8
_SCALING = 32.0 / 8.0
_BT = 2048

_NC = 2
_NS = 16
_NW = _NC * _NS


def _pass1_body(x_ref, wgt_ref, bg_ref, af_ref, lt_ref, h_ref):
    xv = x_ref[...]
    logits = jnp.dot(xv, wgt_ref[...], preferred_element_type=jnp.float32)
    lt_ref[...] = logits.T + bg_ref[...]
    h_ref[...] = jnp.dot(
        xv.astype(jnp.bfloat16), af_ref[...], preferred_element_type=jnp.float32
    ).astype(jnp.bfloat16)


def _pass3_body(h_ref, wt_ref, rep_ref, bf_ref, o_ref):
    w_rep = lax.dot_general(
        wt_ref[...],
        rep_ref[...],
        dimension_numbers=(((0,), (0,)), ((), ())),
        preferred_element_type=jnp.float32,
    )
    g = (h_ref[...].astype(jnp.float32) * w_rep).astype(jnp.bfloat16)
    o_ref[...] = jnp.dot(g, bf_ref[...], preferred_element_type=jnp.float32)


def _sc_router(T):
    tok_per_w = T // _NW
    chunk = 16
    n_steps = tok_per_w // chunk

    mesh = plsc.VectorSubcoreMesh(core_axis_name="c", subcore_axis_name="s")

    @functools.partial(
        pl.kernel,
        out_type=jax.ShapeDtypeStruct((_E, T), jnp.float32),
        mesh=mesh,
        scratch_types=[
            pltpu.VMEM((_E, tok_per_w), jnp.float32),
            pltpu.VMEM((_E, tok_per_w), jnp.float32),
        ],
    )
    def k(lt_hbm, w_hbm, lg_v, w_v):
        wid = lax.axis_index("s") * _NC + lax.axis_index("c")
        base = wid * tok_per_w
        pltpu.sync_copy(lt_hbm.at[:, pl.ds(base, tok_per_w)], lg_v)

        def step(c, carry):
            sl = pl.ds(c * chunk, chunk)
            le = [lg_v[e, sl] for e in range(_E)]
            m1 = le[0]
            for e in range(1, _E):
                m1 = jnp.maximum(m1, le[e])
            big = jnp.full((chunk,), _E, jnp.int32)
            i1 = big
            for e in range(_E):
                i1 = jnp.minimum(i1, jnp.where(le[e] == m1, jnp.int32(e), big))
            neg = jnp.float32(-jnp.inf)
            l2 = [jnp.where(i1 == e, neg, le[e]) for e in range(_E)]
            m2 = l2[0]
            for e in range(1, _E):
                m2 = jnp.maximum(m2, l2[e])
            i2 = big
            for e in range(_E):
                i2 = jnp.minimum(i2, jnp.where(l2[e] == m2, jnp.int32(e), big))
            p2 = jnp.exp(m2 - m1)
            w1 = 1.0 / (1.0 + p2)
            w2 = 1.0 - w1
            zero = jnp.zeros((chunk,), jnp.float32)
            for e in range(_E):
                w_v[e, sl] = jnp.where(i1 == e, w1, jnp.where(i2 == e, w2, zero))
            return carry

        lax.fori_loop(0, n_steps, step, jnp.int32(0), unroll=False)
        pltpu.sync_copy(w_v, w_hbm.at[:, pl.ds(base, tok_per_w)])

    return k


@jax.jit
def kernel(x, Wg, bg, A, B):
    T, D = x.shape
    E, R, _ = A.shape
    wgt = Wg.T
    a_flat = A.reshape(E * R, D).T.astype(jnp.bfloat16)
    b_flat = (
        (B.transpose(0, 2, 1) * jnp.float32(_SCALING))
        .reshape(E * R, D)
        .astype(jnp.bfloat16)
    )
    rep = jnp.repeat(jnp.eye(E, dtype=jnp.float32), R, axis=1)
    bg2 = bg.reshape(E, 1)

    grid = (T // _BT,)
    logits_t, h = pl.pallas_call(
        _pass1_body,
        grid=grid,
        in_specs=[
            pl.BlockSpec((_BT, D), lambda i: (i, 0)),
            pl.BlockSpec((D, E), lambda i: (0, 0)),
            pl.BlockSpec((E, 1), lambda i: (0, 0)),
            pl.BlockSpec((D, E * R), lambda i: (0, 0)),
        ],
        out_specs=[
            pl.BlockSpec((E, _BT), lambda i: (0, i)),
            pl.BlockSpec((_BT, E * R), lambda i: (i, 0)),
        ],
        out_shape=[
            jax.ShapeDtypeStruct((E, T), jnp.float32),
            jax.ShapeDtypeStruct((T, E * R), jnp.bfloat16),
        ],
    )(x, wgt, bg2, a_flat)

    w_t = _sc_router(T)(logits_t)

    out = pl.pallas_call(
        _pass3_body,
        grid=grid,
        in_specs=[
            pl.BlockSpec((_BT, E * R), lambda i: (i, 0)),
            pl.BlockSpec((E, _BT), lambda i: (0, i)),
            pl.BlockSpec((E, E * R), lambda i: (0, 0)),
            pl.BlockSpec((E * R, D), lambda i: (0, 0)),
        ],
        out_specs=pl.BlockSpec((_BT, D), lambda i: (i, 0)),
        out_shape=jax.ShapeDtypeStruct((T, D), jnp.float32),
    )(h, w_t, rep, b_flat)
    return out

# --- scband reference (transcript-rebuilt; emitter-appended) ---
"""Pipeline reference for scband-topk-mo-e-76845554860267 (READ-ONLY COPY).

The authoritative reference and input builder live on the scoring server;
editing this copy changes nothing except your own understanding.
"""

import jax, jax.numpy as jnp
import numpy as np

E = 8
K = 2
D = 1024
R = 8
ALPHA = 32.0
SCALING = ALPHA / R
T = 32768


def setup_inputs(seed: int = 0) -> dict:
    key = jax.random.key(seed)
    ks = jax.random.split(key, 4)
    x = jax.random.normal(ks[0], (T, D), dtype=jnp.float32)
    # router linear: weight [E, D], bias [E]
    Wg = jax.random.normal(ks[1], (E, D), dtype=jnp.float32) * 0.02
    bg = jnp.zeros((E,), dtype=jnp.float32)
    # stacked LoRA expert weights: lora_A.weight is [r, d], lora_B.weight is [d_out, r]
    # (original zero-inits lora_B; we use small random values so the output is nontrivial)
    A = jax.random.normal(ks[2], (E, R, D), dtype=jnp.float32) * 0.02
    B = jax.random.normal(ks[3], (E, D, R), dtype=jnp.float32) * 0.02
    return {"x": x, "Wg": Wg, "bg": bg, "A": A, "B": B}


def _forward(x, Wg, bg, A, B):
    # NoisyTopkRouter (noisy=False)
    logits = x @ Wg.T + bg
    softmax_logits = jax.nn.softmax(logits, axis=-1)
    top_vals, selected_experts = jax.lax.top_k(softmax_logits, K)
    w = top_vals / jnp.sum(top_vals, axis=-1, keepdims=True)
    # expert loop: mathematically equivalent to the torch.where gather/scatter-add
    # loop (top-k experts are distinct per token, so at most one slot matches per expert)
    results = jnp.zeros((x.shape[0], B.shape[1]), dtype=x.dtype)
    for i in range(E):
        mask = (selected_experts == i).astype(x.dtype)  # [T, K]
        wi = jnp.sum(w * mask, axis=-1)                 # [T]
        h = x @ A[i].T                                  # lora_A
        y = (h @ B[i].T) * SCALING                      # lora_B * scaling
        results = results + wi[:, None] * y
    return results


def reference(x, Wg, bg, A, B):
    return _forward(x, Wg, bg, A, B)

if __name__ == "__main__":
    import jax
    _d = setup_inputs()
    print(jax.jit(kernel)(*tuple(_d.values())))

</pallas_src>

<mosaic_0001>
#map = affine_map<(d0, d1) -> (0, 0)>
module attributes {stable_mosaic.version = 14 : i64} {
  func.func @k(%arg0: i32, %arg1: i32, %arg2: memref<8x32768xf32, #tpu.memory_space<hbm>>, %arg3: memref<8x32768xf32, #tpu.memory_space<hbm>>, %arg4: memref<8x1024xf32, #tpu.memory_space<vmem>>, %arg5: memref<8x1024xf32, #tpu.memory_space<vmem>>) attributes {dimension_semantics = [#tpu.dimension_semantics<core_parallel>, #tpu.dimension_semantics<subcore_parallel>], iteration_bounds = array<i64: 2, 16>, scalar_prefetch = 0 : i64, scratch_operands = 2 : i64, tpu.core_type = #tpu.core_type<sc_vector_subcore>, window_params = [{transform_indices = #map}, {transform_indices = #map}]} {
    %mul3A = arith.constant 2 : i32
    %mul3A_0 = arith.muli %arg1, %mul3A : i32
    %add3A = arith.addi %mul3A_0, %arg0 : i32
    %mul3A_1 = arith.constant 1024 : i32
    %mul3A_2 = arith.muli %add3A, %mul3A_1 : i32
    "tpu.region"() ({
      %run_scoped3A = tpu.sem_alloc : memref<!tpu.dma_semaphore, #tpu.memory_space<semaphore_mem>>
      %dma_start3A = arith.constant 0 : i32
      %dma_start3A_8 = tpu.memref_slice %arg2[%dma_start3A, %mul3A_2] : memref<8x32768xf32, #tpu.memory_space<hbm>> -> memref<8x1024xf32, #tpu.memory_space<hbm>>
      %dma_start3A_9 = arith.constant 0 : i32
      %dma_start3A_10 = tpu.memref_slice %arg2[%dma_start3A_9, %mul3A_2] : memref<8x32768xf32, #tpu.memory_space<hbm>> -> memref<8x1024xf32, #tpu.memory_space<hbm>>
      tpu.enqueue_dma source(%dma_start3A_10 : memref<8x1024xf32, #tpu.memory_space<hbm>>) target(%arg4 : memref<8x1024xf32, #tpu.memory_space<vmem>>) target_semaphore(%run_scoped3A : memref<!tpu.dma_semaphore, #tpu.memory_space<semaphore_mem>>)
      %dma_wait3A = arith.constant 0 : i32
      %dma_wait3A_11 = tpu.memref_slice %arg2[%dma_wait3A, %mul3A_2] : memref<8x32768xf32, #tpu.memory_space<hbm>> -> memref<8x1024xf32, #tpu.memory_space<hbm>>
      %dma_wait3A_12 = arith.constant 0 : i32
      %dma_wait3A_13 = tpu.memref_slice %arg2[%dma_wait3A_12, %mul3A_2] : memref<8x32768xf32, #tpu.memory_space<hbm>> -> memref<8x1024xf32, #tpu.memory_space<hbm>>
      tpu.wait_dma2 semaphore(%run_scoped3A : memref<!tpu.dma_semaphore, #tpu.memory_space<semaphore_mem>>) src(%dma_wait3A_13 : memref<8x1024xf32, #tpu.memory_space<hbm>>) dst(%arg4 : memref<8x1024xf32, #tpu.memory_space<vmem>>)
      tpu.yield
    }) : () -> ()
    %scan3A = arith.constant 0 : i32
    %scan3A_3 = arith.constant 0 : i32
    %scan3A_4 = arith.constant 64 : i32
    %scan3A_5 = arith.addi %scan3A_3, %scan3A_4 : i32
    %scan3A_6 = arith.constant 1 : i32
    scf.for %scan3A_8 = %scan3A_3 to %scan3A_5 step %scan3A_6  : i32 {
      %mul3A_9 = arith.constant 16 : i32
      %mul3A_10 = arith.muli %scan3A_8, %mul3A_9 : i32
      %get3A = arith.constant 0 : i32
      %get3A_11 = arith.index_cast %get3A : i32 to index
      %get3A_12 = arith.index_cast %mul3A_10 : i32 to index
      %get3A_13 = tpu.vector_load %arg4[%get3A_11, %get3A_12] {strides = array<i32>} : memref<8x1024xf32, #tpu.memory_space<vmem>>, vector<1x16xf32>,
      %get3A_14 = vector.shape_cast %get3A_13 : vector<1x16xf32> to vector<16xf32>
      %get3A_15 = arith.constant 1 : i32
      %get3A_16 = arith.index_cast %get3A_15 : i32 to index
      %get3A_17 = arith.index_cast %mul3A_10 : i32 to index
      %get3A_18 = tpu.vector_load %arg4[%get3A_16, %get3A_17] {strides = array<i32>} : memref<8x1024xf32, #tpu.memory_space<vmem>>, vector<1x16xf32>,
      %get3A_19 = vector.shape_cast %get3A_18 : vector<1x16xf32> to vector<16xf32>
      %get3A_20 = arith.constant 2 : i32
      %get3A_21 = arith.index_cast %get3A_20 : i32 to index
      %get3A_22 = arith.index_cast %mul3A_10 : i32 to index
      %get3A_23 = tpu.vector_load %arg4[%get3A_21, %get3A_22] {strides = array<i32>} : memref<8x1024xf32, #tpu.memory_space<vmem>>, vector<1x16xf32>,
      %get3A_24 = vector.shape_cast %get3A_23 : vector<1x16xf32> to vector<16xf32>
      %get3A_25 = arith.constant 3 : i32
      %get3A_26 = arith.index_cast %get3A_25 : i32 to index
      %get3A_27 = arith.index_cast %mul3A_10 : i32 to index
      %get3A_28 = tpu.vector_load %arg4[%get3A_26, %get3A_27] {strides = array<i32>} : memref<8x1024xf32, #tpu.memory_space<vmem>>, vector<1x16xf32>,
      %get3A_29 = vector.shape_cast %get3A_28 : vector<1x16xf32> to vector<16xf32>
      %get3A_30 = arith.constant 4 : i32
      %get3A_31 = arith.index_cast %get3A_30 : i32 to index
      %get3A_32 = arith.index_cast %mul3A_10 : i32 to index
      %get3A_33 = tpu.vector_load %arg4[%get3A_31, %get3A_32] {strides = array<i32>} : memref<8x1024xf32, #tpu.memory_space<vmem>>, vector<1x16xf32>,
      %get3A_34 = vector.shape_cast %get3A_33 : vector<1x16xf32> to vector<16xf32>
      %get3A_35 = arith.constant 5 : i32
      %get3A_36 = arith.index_cast %get3A_35 : i32 to index
      %get3A_37 = arith.index_cast %mul3A_10 : i32 to index
      %get3A_38 = tpu.vector_load %arg4[%get3A_36, %get3A_37] {strides = array<i32>} : memref<8x1024xf32, #tpu.memory_space<vmem>>, vector<1x16xf32>,
      %get3A_39 = vector.shape_cast %get3A_38 : vector<1x16xf32> to vector<16xf32>
      %get3A_40 = arith.constant 6 : i32
      %get3A_41 = arith.index_cast %get3A_40 : i32 to index
      %get3A_42 = arith.index_cast %mul3A_10 : i32 to index
      %get3A_43 = tpu.vector_load %arg4[%get3A_41, %get3A_42] {strides = array<i32>} : memref<8x1024xf32, #tpu.memory_space<vmem>>, vector<1x16xf32>,
      %get3A_44 = vector.shape_cast %get3A_43 : vector<1x16xf32> to vector<16xf32>
      %get3A_45 = arith.constant 7 : i32
      %get3A_46 = arith.index_cast %get3A_45 : i32 to index
      %get3A_47 = arith.index_cast %mul3A_10 : i32 to index
      %get3A_48 = tpu.vector_load %arg4[%get3A_46, %get3A_47] {strides = array<i32>} : memref<8x1024xf32, #tpu.memory_space<vmem>>, vector<1x16xf32>,
      %get3A_49 = vector.shape_cast %get3A_48 : vector<1x16xf32> to vector<16xf32>
      %max3A = arith.maximumf %get3A_14, %get3A_19 : vector<16xf32>
      %max3A_50 = arith.maximumf %max3A, %get3A_24 : vector<16xf32>
      %max3A_51 = arith.maximumf %max3A_50, %get3A_29 : vector<16xf32>
      %max3A_52 = arith.maximumf %max3A_51, %get3A_34 : vector<16xf32>
      %max3A_53 = arith.maximumf %max3A_52, %get3A_39 : vector<16xf32>
      %max3A_54 = arith.maximumf %max3A_53, %get3A_44 : vector<16xf32>
      %max3A_55 = arith.maximumf %max3A_54, %get3A_49 : vector<16xf32>
      %broadcast_in_dim3A = arith.constant 8 : i32
      %broadcast_in_dim3A_56 = vector.broadcast %broadcast_in_dim3A : i32 to vector<16xi32>
      %eq3A = arith.cmpf oeq, %get3A_14, %max3A_55 : vector<16xf32>
      %jit3A = arith.constant 0 : i32
      %broadcast_in_dim3A_57 = vector.broadcast %jit3A : i32 to vector<16xi32>
      %select_n3A = arith.select %eq3A, %broadcast_in_dim3A_57, %broadcast_in_dim3A_56 : vector<16xi1>, vector<16xi32>
      %min3A = arith.minsi %broadcast_in_dim3A_56, %select_n3A : vector<16xi32>
      %eq3A_58 = arith.cmpf oeq, %get3A_19, %max3A_55 : vector<16xf32>
      %jit3A_59 = arith.constant 1 : i32
      %broadcast_in_dim3A_60 = vector.broadcast %jit3A_59 : i32 to vector<16xi32>
      %select_n3A_61 = arith.select %eq3A_58, %broadcast_in_dim3A_60, %broadcast_in_dim3A_56 : vector<16xi1>, vector<16xi32>
      %min3A_62 = arith.minsi %min3A, %select_n3A_61 : vector<16xi32>
      %eq3A_63 = arith.cmpf oeq, %get3A_24, %max3A_55 : vector<16xf32>
      %jit3A_64 = arith.constant 2 : i32
      %broadcast_in_dim3A_65 = vector.broadcast %jit3A_64 : i32 to vector<16xi32>
      %select_n3A_66 = arith.select %eq3A_63, %broadcast_in_dim3A_65, %broadcast_in_dim3A_56 : vector<16xi1>, vector<16xi32>
      %min3A_67 = arith.minsi %min3A_62, %select_n3A_66 : vector<16xi32>
      %eq3A_68 = arith.cmpf oeq, %get3A_29, %max3A_55 : vector<16xf32>
      %jit3A_69 = arith.constant 3 : i32
      %broadcast_in_dim3A_70 = vector.broadcast %jit3A_69 : i32 to vector<16xi32>
      %select_n3A_71 = arith.select %eq3A_68, %broadcast_in_dim3A_70, %broadcast_in_dim3A_56 : vector<16xi1>, vector<16xi32>
      %min3A_72 = arith.minsi %min3A_67, %select_n3A_71 : vector<16xi32>
      %eq3A_73 = arith.cmpf oeq, %get3A_34, %max3A_55 : vector<16xf32>
      %jit3A_74 = arith.constant 4 : i32
      %broadcast_in_dim3A_75 = vector.broadcast %jit3A_74 : i32 to vector<16xi32>
      %select_n3A_76 = arith.select %eq3A_73, %broadcast_in_dim3A_75, %broadcast_in_dim3A_56 : vector<16xi1>, vector<16xi32>
      %min3A_77 = arith.minsi %min3A_72, %select_n3A_76 : vector<16xi32>
      %eq3A_78 = arith.cmpf oeq, %get3A_39, %max3A_55 : vector<16xf32>
      %jit3A_79 = arith.constant 5 : i32
      %broadcast_in_dim3A_80 = vector.broadcast %jit3A_79 : i32 to vector<16xi32>
      %select_n3A_81 = arith.select %eq3A_78, %broadcast_in_dim3A_80, %broadcast_in_dim3A_56 : vector<16xi1>, vector<16xi32>
      %min3A_82 = arith.minsi %min3A_77, %select_n3A_81 : vector<16xi32>
      %eq3A_83 = arith.cmpf oeq, %get3A_44, %max3A_55 : vector<16xf32>
      %jit3A_84 = arith.constant 6 : i32
      %broadcast_in_dim3A_85 = vector.broadcast %jit3A_84 : i32 to vector<16xi32>
      %select_n3A_86 = arith.select %eq3A_83, %broadcast_in_dim3A_85, %broadcast_in_dim3A_56 : vector<16xi1>, vector<16xi32>
      %min3A_87 = arith.minsi %min3A_82, %select_n3A_86 : vector<16xi32>
      %eq3A_88 = arith.cmpf oeq, %get3A_49, %max3A_55 : vector<16xf32>
      %jit3A_89 = arith.constant 7 : i32
      %broadcast_in_dim3A_90 = vector.broadcast %jit3A_89 : i32 to vector<16xi32>
      %select_n3A_91 = arith.select %eq3A_88, %broadcast_in_dim3A_90, %broadcast_in_dim3A_56 : vector<16xi1>, vector<16xi32>
      %min3A_92 = arith.minsi %min3A_87, %select_n3A_91 : vector<16xi32>
      %eq3A_93 = arith.constant 0 : i32
      %eq3A_94 = vector.broadcast %eq3A_93 : i32 to vector<16xi32>
      %eq3A_95 = arith.cmpi eq, %min3A_92, %eq3A_94 : vector<16xi32>
      %jit3A_96 = arith.constant 0xFF800000 : f32
      %broadcast_in_dim3A_97 = vector.broadcast %jit3A_96 : f32 to vector<16xf32>
      %select_n3A_98 = arith.select %eq3A_95, %broadcast_in_dim3A_97, %get3A_14 : vector<16xi1>, vector<16xf32>
      %eq3A_99 = arith.constant 1 : i32
      %eq3A_100 = vector.broadcast %eq3A_99 : i32 to vector<16xi32>
      %eq3A_101 = arith.cmpi eq, %min3A_92, %eq3A_100 : vector<16xi32>
      %jit3A_102 = arith.constant 0xFF800000 : f32
      %broadcast_in_dim3A_103 = vector.broadcast %jit3A_102 : f32 to vector<16xf32>
      %select_n3A_104 = arith.select %eq3A_101, %broadcast_in_dim3A_103, %get3A_19 : vector<16xi1>, vector<16xf32>
      %eq3A_105 = arith.constant 2 : i32
      %eq3A_106 = vector.broadcast %eq3A_105 : i32 to vector<16xi32>
      %eq3A_107 = arith.cmpi eq, %min3A_92, %eq3A_106 : vector<16xi32>
      %jit3A_108 = arith.constant 0xFF800000 : f32
      %broadcast_in_dim3A_109 = vector.broadcast %jit3A_108 : f32 to vector<16xf32>
      %select_n3A_110 = arith.select %eq3A_107, %broadcast_in_dim3A_109, %get3A_24 : vector<16xi1>, vector<16xf32>
      %eq3A_111 = arith.constant 3 : i32
      %eq3A_112 = vector.broadcast %eq3A_111 : i32 to vector<16xi32>
      %eq3A_113 = arith.cmpi eq, %min3A_92, %eq3A_112 : vector<16xi32>
      %jit3A_114 = arith.constant 0xFF800000 : f32
      %broadcast_in_dim3A_115 = vector.broadcast %jit3A_114 : f32 to vector<16xf32>
      %select_n3A_116 = arith.select %eq3A_113, %broadcast_in_dim3A_115, %get3A_29 : vector<16xi1>, vector<16xf32>
      %eq3A_117 = arith.constant 4 : i32
      %eq3A_118 = vector.broadcast %eq3A_117 : i32 to vector<16xi32>
      %eq3A_119 = arith.cmpi eq, %min3A_92, %eq3A_118 : vector<16xi32>
      %jit3A_120 = arith.constant 0xFF800000 : f32
      %broadcast_in_dim3A_121 = vector.broadcast %jit3A_120 : f32 to vector<16xf32>
      %select_n3A_122 = arith.select %eq3A_119, %broadcast_in_dim3A_121, %get3A_34 : vector<16xi1>, vector<16xf32>
      %eq3A_123 = arith.constant 5 : i32
      %eq3A_124 = vector.broadcast %eq3A_123 : i32 to vector<16xi32>
      %eq3A_125 = arith.cmpi eq, %min3A_92, %eq3A_124 : vector<16xi32>
      %jit3A_126 = arith.constant 0xFF800000 : f32
      %broadcast_in_dim3A_127 = vector.broadcast %jit3A_126 : f32 to vector<16xf32>
      %select_n3A_128 = arith.select %eq3A_125, %broadcast_in_dim3A_127, %get3A_39 : vector<16xi1>, vector<16xf32>
      %eq3A_129 = arith.constant 6 : i32
      %eq3A_130 = vector.broadcast %eq3A_129 : i32 to vector<16xi32>
      %eq3A_131 = arith.cmpi eq, %min3A_92, %eq3A_130 : vector<16xi32>
      %jit3A_132 = arith.constant 0xFF800000 : f32
      %broadcast_in_dim3A_133 = vector.broadcast %jit3A_132 : f32 to vector<16xf32>
      %select_n3A_134 = arith.select %eq3A_131, %broadcast_in_dim3A_133, %get3A_44 : vector<16xi1>, vector<16xf32>
      %eq3A_135 = arith.constant 7 : i32
      %eq3A_136 = vector.broadcast %eq3A_135 : i32 to vector<16xi32>
      %eq3A_137 = arith.cmpi eq, %min3A_92, %eq3A_136 : vector<16xi32>
      %jit3A_138 = arith.constant 0xFF800000 : f32
      %broadcast_in_dim3A_139 = vector.broadcast %jit3A_138 : f32 to vector<16xf32>
      %select_n3A_140 = arith.select %eq3A_137, %broadcast_in_dim3A_139, %get3A_49 : vector<16xi1>, vector<16xf32>
      %max3A_141 = arith.maximumf %select_n3A_98, %select_n3A_104 : vector<16xf32>
      %max3A_142 = arith.maximumf %max3A_141, %select_n3A_110 : vector<16xf32>
      %max3A_143 = arith.maximumf %max3A_142, %select_n3A_116 : vector<16xf32>
      %max3A_144 = arith.maximumf %max3A_143, %select_n3A_122 : vector<16xf32>
      %max3A_145 = arith.maximumf %max3A_144, %select_n3A_128 : vector<16xf32>
      %max3A_146 = arith.maximumf %max3A_145, %select_n3A_134 : vector<16xf32>
      %max3A_147 = arith.maximumf %max3A_146, %select_n3A_140 : vector<16xf32>
      %eq3A_148 = arith.cmpf oeq, %select_n3A_98, %max3A_147 : vector<16xf32>
      %jit3A_149 = arith.constant 0 : i32
      %broadcast_in_dim3A_150 = vector.broadcast %jit3A_149 : i32 to vector<16xi32>
      %select_n3A_151 = arith.select %eq3A_148, %broadcast_in_dim3A_150, %broadcast_in_dim3A_56 : vector<16xi1>, vector<16xi32>
      %min3A_152 = arith.minsi %broadcast_in_dim3A_56, %select_n3A_151 : vector<16xi32>
      %eq3A_153 = arith.cmpf oeq, %select_n3A_104, %max3A_147 : vector<16xf32>
      %jit3A_154 = arith.constant 1 : i32
      %broadcast_in_dim3A_155 = vector.broadcast %jit3A_154 : i32 to vector<16xi32>
      %select_n3A_156 = arith.select %eq3A_153, %broadcast_in_dim3A_155, %broadcast_in_dim3A_56 : vector<16xi1>, vector<16xi32>
      %min3A_157 = arith.minsi %min3A_152, %select_n3A_156 : vector<16xi32>
      %eq3A_158 = arith.cmpf oeq, %select_n3A_110, %max3A_147 : vector<16xf32>
      %jit3A_159 = arith.constant 2 : i32
      %broadcast_in_dim3A_160 = vector.broadcast %jit3A_159 : i32 to vector<16xi32>
      %select_n3A_161 = arith.select %eq3A_158, %broadcast_in_dim3A_160, %broadcast_in_dim3A_56 : vector<16xi1>, vector<16xi32>
      %min3A_162 = arith.minsi %min3A_157, %select_n3A_161 : vector<16xi32>
      %eq3A_163 = arith.cmpf oeq, %select_n3A_116, %max3A_147 : vector<16xf32>
      %jit3A_164 = arith.constant 3 : i32
      %broadcast_in_dim3A_165 = vector.broadcast %jit3A_164 : i32 to vector<16xi32>
      %select_n3A_166 = arith.select %eq3A_163, %broadcast_in_dim3A_165, %broadcast_in_dim3A_56 : vector<16xi1>, vector<16xi32>
      %min3A_167 = arith.minsi %min3A_162, %select_n3A_166 : vector<16xi32>
      %eq3A_168 = arith.cmpf oeq, %select_n3A_122, %max3A_147 : vector<16xf32>
      %jit3A_169 = arith.constant 4 : i32
      %broadcast_in_dim3A_170 = vector.broadcast %jit3A_169 : i32 to vector<16xi32>
      %select_n3A_171 = arith.select %eq3A_168, %broadcast_in_dim3A_170, %broadcast_in_dim3A_56 : vector<16xi1>, vector<16xi32>
      %min3A_172 = arith.minsi %min3A_167, %select_n3A_171 : vector<16xi32>
      %eq3A_173 = arith.cmpf oeq, %select_n3A_128, %max3A_147 : vector<16xf32>
      %jit3A_174 = arith.constant 5 : i32
      %broadcast_in_dim3A_175 = vector.broadcast %jit3A_174 : i32 to vector<16xi32>
      %select_n3A_176 = arith.select %eq3A_173, %broadcast_in_dim3A_175, %broadcast_in_dim3A_56 : vector<16xi1>, vector<16xi32>
      %min3A_177 = arith.minsi %min3A_172, %select_n3A_176 : vector<16xi32>
      %eq3A_178 = arith.cmpf oeq, %select_n3A_134, %max3A_147 : vector<16xf32>
      %jit3A_179 = arith.constant 6 : i32
      %broadcast_in_dim3A_180 = vector.broadcast %jit3A_179 : i32 to vector<16xi32>
      %select_n3A_181 = arith.select %eq3A_178, %broadcast_in_dim3A_180, %broadcast_in_dim3A_56 : vector<16xi1>, vector<16xi32>
      %min3A_182 = arith.minsi %min3A_177, %select_n3A_181 : vector<16xi32>
      %eq3A_183 = arith.cmpf oeq, %select_n3A_140, %max3A_147 : vector<16xf32>
      %jit3A_184 = arith.constant 7 : i32
      %broadcast_in_dim3A_185 = vector.broadcast %jit3A_184 : i32 to vector<16xi32>
      %select_n3A_186 = arith.select %eq3A_183, %broadcast_in_dim3A_185, %broadcast_in_dim3A_56 : vector<16xi1>, vector<16xi32>
      %min3A_187 = arith.minsi %min3A_182, %select_n3A_186 : vector<16xi32>
      %sub3A = arith.subf %max3A_147, %max3A_55 : vector<16xf32>
      %exp3A = math.exp %sub3A : vector<16xf32>
      %add3A_188 = arith.constant 1.000000e+00 : f32
      %add3A_189 = vector.broadcast %add3A_188 : f32 to vector<16xf32>
      %add3A_190 = arith.addf %add3A_189, %exp3A : vector<16xf32>
      %div3A = arith.constant 1.000000e+00 : f32
      %div3A_191 = vector.broadcast %div3A : f32 to vector<16xf32>
      %div3A_192 = arith.divf %div3A_191, %add3A_190 : vector<16xf32>
      %sub3A_193 = arith.constant 1.000000e+00 : f32
      %sub3A_194 = vector.broadcast %sub3A_193 : f32 to vector<16xf32>
      %sub3A_195 = arith.subf %sub3A_194, %div3A_192 : vector<16xf32>
      %broadcast_in_dim3A_196 = arith.constant 0.000000e+00 : f32
      %broadcast_in_dim3A_197 = vector.broadcast %broadcast_in_dim3A_196 : f32 to vector<16xf32>
      %eq3A_198 = arith.constant 0 : i32
      %eq3A_199 = vector.broadcast %eq3A_198 : i32 to vector<16xi32>
      %eq3A_200 = arith.cmpi eq, %min3A_92, %eq3A_199 : vector<16xi32>
      %eq3A_201 = arith.constant 0 : i32
      %eq3A_202 = vector.broadcast %eq3A_201 : i32 to vector<16xi32>
      %eq3A_203 = arith.cmpi eq, %min3A_187, %eq3A_202 : vector<16xi32>
      %select_n3A_204 = arith.select %eq3A_203, %sub3A_195, %broadcast_in_dim3A_197 : vector<16xi1>, vector<16xf32>
      %select_n3A_205 = arith.select %eq3A_200, %div3A_192, %select_n3A_204 : vector<16xi1>, vector<16xf32>
      %swap3A = arith.constant 0 : i32
      %swap3A_206 = arith.index_cast %swap3A : i32 to index
      %swap3A_207 = arith.index_cast %mul3A_10 : i32 to index
      %swap3A_208 = tpu.vector_load %arg5[%swap3A_206, %swap3A_207] {strides = array<i32>} : memref<8x1024xf32, #tpu.memory_space<vmem>>, vector<1x16xf32>,
      %swap3A_209 = vector.shape_cast %swap3A_208 : vector<1x16xf32> to vector<16xf32>
      %swap3A_210 = vector.shape_cast %select_n3A_205 : vector<16xf32> to vector<1x16xf32>
      tpu.vector_store %arg5[%swap3A_206, %swap3A_207], %swap3A_210 {strides = array<i32>} : memref<8x1024xf32, #tpu.memory_space<vmem>>, vector<1x16xf32>,
      %eq3A_211 = arith.constant 1 : i32
      %eq3A_212 = vector.broadcast %eq3A_211 : i32 to vector<16xi32>
      %eq3A_213 = arith.cmpi eq, %min3A_92, %eq3A_212 : vector<16xi32>
      %eq3A_214 = arith.constant 1 : i32
      %eq3A_215 = vector.broadcast %eq3A_214 : i32 to vector<16xi32>
      %eq3A_216 = arith.cmpi eq, %min3A_187, %eq3A_215 : vector<16xi32>
      %select_n3A_217 = arith.select %eq3A_216, %sub3A_195, %broadcast_in_dim3A_197 : vector<16xi1>, vector<16xf32>
      %select_n3A_218 = arith.select %eq3A_213, %div3A_192, %select_n3A_217 : vector<16xi1>, vector<16xf32>
      %swap3A_219 = arith.constant 1 : i32
      %swap3A_220 = arith.index_cast %swap3A_219 : i32 to index
      %swap3A_221 = arith.index_cast %mul3A_10 : i32 to index
      %swap3A_222 = tpu.vector_load %arg5[%swap3A_220, %swap3A_221] {strides = array<i32>} : memref<8x1024xf32, #tpu.memory_space<vmem>>, vector<1x16xf32>,
      %swap3A_223 = vector.shape_cast %swap3A_222 : vector<1x16xf32> to vector<16xf32>
      %swap3A_224 = vector.shape_cast %select_n3A_218 : vector<16xf32> to vector<1x16xf32>
      tpu.vector_store %arg5[%swap3A_220, %swap3A_221], %swap3A_224 {strides = array<i32>} : memref<8x1024xf32, #tpu.memory_space<vmem>>, vector<1x16xf32>,
      %eq3A_225 = arith.constant 2 : i32
      %eq3A_226 = vector.broadcast %eq3A_225 : i32 to vector<16xi32>
      %eq3A_227 = arith.cmpi eq, %min3A_92, %eq3A_226 : vector<16xi32>
      %eq3A_228 = arith.constant 2 : i32
      %eq3A_229 = vector.broadcast %eq3A_228 : i32 to vector<16xi32>
      %eq3A_230 = arith.cmpi eq, %min3A_187, %eq3A_229 : vector<16xi32>
      %select_n3A_231 = arith.select %eq3A_230, %sub3A_195, %broadcast_in_dim3A_197 : vector<16xi1>, vector<16xf32>
      %select_n3A_232 = arith.select %eq3A_227, %div3A_192, %select_n3A_231 : vector<16xi1>, vector<16xf32>
      %swap3A_233 = arith.constant 2 : i32
      %swap3A_234 = arith.index_cast %swap3A_233 : i32 to index
      %swap3A_235 = arith.index_cast %mul3A_10 : i32 to index
      %swap3A_236 = tpu.vector_load %arg5[%swap3A_234, %swap3A_235] {strides = array<i32>} : memref<8x1024xf32, #tpu.memory_space<vmem>>, vector<1x16xf32>,
      %swap3A_237 = vector.shape_cast %swap3A_236 : vector<1x16xf32> to vector<16xf32>
      %swap3A_238 = vector.shape_cast %select_n3A_232 : vector<16xf32> to vector<1x16xf32>
      tpu.vector_store %arg5[%swap3A_234, %swap3A_235], %swap3A_238 {strides = array<i32>} : memref<8x1024xf32, #tpu.memory_space<vmem>>, vector<1x16xf32>,
      %eq3A_239 = arith.constant 3 : i32
      %eq3A_240 = vector.broadcast %eq3A_239 : i32 to vector<16xi32>
      %eq3A_241 = arith.cmpi eq, %min3A_92, %eq3A_240 : vector<16xi32>
      %eq3A_242 = arith.constant 3 : i32
      %eq3A_243 = vector.broadcast %eq3A_242 : i32 to vector<16xi32>
      %eq3A_244 = arith.cmpi eq, %min3A_187, %eq3A_243 : vector<16xi32>
      %select_n3A_245 = arith.select %eq3A_244, %sub3A_195, %broadcast_in_dim3A_197 : vector<16xi1>, vector<16xf32>
      %select_n3A_246 = arith.select %eq3A_241, %div3A_192, %select_n3A_245 : vector<16xi1>, vector<16xf32>
      %swap3A_247 = arith.constant 3 : i32
      %swap3A_248 = arith.index_cast %swap3A_247 : i32 to index
      %swap3A_249 = arith.index_cast %mul3A_10 : i32 to index
      %swap3A_250 = tpu.vector_load %arg5[%swap3A_248, %swap3A_249] {strides = array<i32>} : memref<8x1024xf32, #tpu.memory_space<vmem>>, vector<1x16xf32>,
      %swap3A_251 = vector.shape_cast %swap3A_250 : vector<1x16xf32> to vector<16xf32>
      %swap3A_252 = vector.shape_cast %select_n3A_246 : vector<16xf32> to vector<1x16xf32>
      tpu.vector_store %arg5[%swap3A_248, %swap3A_249], %swap3A_252 {strides = array<i32>} : memref<8x1024xf32, #tpu.memory_space<vmem>>, vector<1x16xf32>,
      %eq3A_253 = arith.constant 4 : i32
      %eq3A_254 = vector.broadcast %eq3A_253 : i32 to vector<16xi32>
      %eq3A_255 = arith.cmpi eq, %min3A_92, %eq3A_254 : vector<16xi32>
      %eq3A_256 = arith.constant 4 : i32
      %eq3A_257 = vector.broadcast %eq3A_256 : i32 to vector<16xi32>
      %eq3A_258 = arith.cmpi eq, %min3A_187, %eq3A_257 : vector<16xi32>
      %select_n3A_259 = arith.select %eq3A_258, %sub3A_195, %broadcast_in_dim3A_197 : vector<16xi1>, vector<16xf32>
      %select_n3A_260 = arith.select %eq3A_255, %div3A_192, %select_n3A_259 : vector<16xi1>, vector<16xf32>
      %swap3A_261 = arith.constant 4 : i32
      %swap3A_262 = arith.index_cast %swap3A_261 : i32 to index
      %swap3A_263 = arith.index_cast %mul3A_10 : i32 to index
      %swap3A_264 = tpu.vector_load %arg5[%swap3A_262, %swap3A_263] {strides = array<i32>} : memref<8x1024xf32, #tpu.memory_space<vmem>>, vector<1x16xf32>,
      %swap3A_265 = vector.shape_cast %swap3A_264 : vector<1x16xf32> to vector<16xf32>
      %swap3A_266 = vector.shape_cast %select_n3A_260 : vector<16xf32> to vector<1x16xf32>
      tpu.vector_store %arg5[%swap3A_262, %swap3A_263], %swap3A_266 {strides = array<i32>} : memref<8x1024xf32, #tpu.memory_space<vmem>>, vector<1x16xf32>,
      %eq3A_267 = arith.constant 5 : i32
      %eq3A_268 = vector.broadcast %eq3A_267 : i32 to vector<16xi32>
      %eq3A_269 = arith.cmpi eq, %min3A_92, %eq3A_268 : vector<16xi32>
      %eq3A_270 = arith.constant 5 : i32
      %eq3A_271 = vector.broadcast %eq3A_270 : i32 to vector<16xi32>
      %eq3A_272 = arith.cmpi eq, %min3A_187, %eq3A_271 : vector<16xi32>
      %select_n3A_273 = arith.select %eq3A_272, %sub3A_195, %broadcast_in_dim3A_197 : vector<16xi1>, vector<16xf32>
      %select_n3A_274 = arith.select %eq3A_269, %div3A_192, %select_n3A_273 : vector<16xi1>, vector<16xf32>
      %swap3A_275 = arith.constant 5 : i32
      %swap3A_276 = arith.index_cast %swap3A_275 : i32 to index
      %swap3A_277 = arith.index_cast %mul3A_10 : i32 to index
      %swap3A_278 = tpu.vector_load %arg5[%swap3A_276, %swap3A_277] {strides = array<i32>} : memref<8x1024xf32, #tpu.memory_space<vmem>>, vector<1x16xf32>,
      %swap3A_279 = vector.shape_cast %swap3A_278 : vector<1x16xf32> to vector<16xf32>
      %swap3A_280 = vector.shape_cast %select_n3A_274 : vector<16xf32> to vector<1x16xf32>
      tpu.vector_store %arg5[%swap3A_276, %swap3A_277], %swap3A_280 {strides = array<i32>} : memref<8x1024xf32, #tpu.memory_space<vmem>>, vector<1x16xf32>,
      %eq3A_281 = arith.constant 6 : i32
      %eq3A_282 = vector.broadcast %eq3A_281 : i32 to vector<16xi32>
      %eq3A_283 = arith.cmpi eq, %min3A_92, %eq3A_282 : vector<16xi32>
      %eq3A_284 = arith.constant 6 : i32
      %eq3A_285 = vector.broadcast %eq3A_284 : i32 to vector<16xi32>
      %eq3A_286 = arith.cmpi eq, %min3A_187, %eq3A_285 : vector<16xi32>
      %select_n3A_287 = arith.select %eq3A_286, %sub3A_195, %broadcast_in_dim3A_197 : vector<16xi1>, vector<16xf32>
      %select_n3A_288 = arith.select %eq3A_283, %div3A_192, %select_n3A_287 : vector<16xi1>, vector<16xf32>
      %swap3A_289 = arith.constant 6 : i32
      %swap3A_290 = arith.index_cast %swap3A_289 : i32 to index
      %swap3A_291 = arith.index_cast %mul3A_10 : i32 to index
      %swap3A_292 = tpu.vector_load %arg5[%swap3A_290, %swap3A_291] {strides = array<i32>} : memref<8x1024xf32, #tpu.memory_space<vmem>>, vector<1x16xf32>,
      %swap3A_293 = vector.shape_cast %swap3A_292 : vector<1x16xf32> to vector<16xf32>
      %swap3A_294 = vector.shape_cast %select_n3A_288 : vector<16xf32> to vector<1x16xf32>
      tpu.vector_store %arg5[%swap3A_290, %swap3A_291], %swap3A_294 {strides = array<i32>} : memref<8x1024xf32, #tpu.memory_space<vmem>>, vector<1x16xf32>,
      %eq3A_295 = arith.constant 7 : i32
      %eq3A_296 = vector.broadcast %eq3A_295 : i32 to vector<16xi32>
      %eq3A_297 = arith.cmpi eq, %min3A_92, %eq3A_296 : vector<16xi32>
      %eq3A_298 = arith.constant 7 : i32
      %eq3A_299 = vector.broadcast %eq3A_298 : i32 to vector<16xi32>
      %eq3A_300 = arith.cmpi eq, %min3A_187, %eq3A_299 : vector<16xi32>
      %select_n3A_301 = arith.select %eq3A_300, %sub3A_195, %broadcast_in_dim3A_197 : vector<16xi1>, vector<16xf32>
      %select_n3A_302 = arith.select %eq3A_297, %div3A_192, %select_n3A_301 : vector<16xi1>, vector<16xf32>
      %swap3A_303 = arith.constant 7 : i32
      %swap3A_304 = arith.index_cast %swap3A_303 : i32 to index
      %swap3A_305 = arith.index_cast %mul3A_10 : i32 to index
      %swap3A_306 = tpu.vector_load %arg5[%swap3A_304, %swap3A_305] {strides = array<i32>} : memref<8x1024xf32, #tpu.memory_space<vmem>>, vector<1x16xf32>,
      %swap3A_307 = vector.shape_cast %swap3A_306 : vector<1x16xf32> to vector<16xf32>
      %swap3A_308 = vector.shape_cast %select_n3A_302 : vector<16xf32> to vector<1x16xf32>
      tpu.vector_store %arg5[%swap3A_304, %swap3A_305], %swap3A_308 {strides = array<i32>} : memref<8x1024xf32, #tpu.memory_space<vmem>>, vector<1x16xf32>,
    }
    %scan3A_7 = arith.constant 64 : i32
    "tpu.region"() ({
      %run_scoped3A = tpu.sem_alloc : memref<!tpu.dma_semaphore, #tpu.memory_space<semaphore_mem>>
      %dma_start3A = arith.constant 0 : i32
      %dma_start3A_8 = tpu.memref_slice %arg3[%dma_start3A, %mul3A_2] : memref<8x32768xf32, #tpu.memory_space<hbm>> -> memref<8x1024xf32, #tpu.memory_space<hbm>>
      %dma_start3A_9 = arith.constant 0 : i32
      %dma_start3A_10 = tpu.memref_slice %arg3[%dma_start3A_9, %mul3A_2] : memref<8x32768xf32, #tpu.memory_space<hbm>> -> memref<8x1024xf32, #tpu.memory_space<hbm>>
      tpu.enqueue_dma source(%arg5 : memref<8x1024xf32, #tpu.memory_space<vmem>>) target(%dma_start3A_10 : memref<8x1024xf32, #tpu.memory_space<hbm>>) target_semaphore(%run_scoped3A : memref<!tpu.dma_semaphore, #tpu.memory_space<semaphore_mem>>)
      %dma_wait3A = arith.constant 0 : i32
      %dma_wait3A_11 = tpu.memref_slice %arg3[%dma_wait3A, %mul3A_2] : memref<8x32768xf32, #tpu.memory_space<hbm>> -> memref<8x1024xf32, #tpu.memory_space<hbm>>
      %dma_wait3A_12 = arith.constant 0 : i32
      %dma_wait3A_13 = tpu.memref_slice %arg3[%dma_wait3A_12, %mul3A_2] : memref<8x32768xf32, #tpu.memory_space<hbm>> -> memref<8x1024xf32, #tpu.memory_space<hbm>>
      tpu.wait_dma2 semaphore(%run_scoped3A : memref<!tpu.dma_semaphore, #tpu.memory_space<semaphore_mem>>) src(%arg5 : memref<8x1024xf32, #tpu.memory_space<vmem>>) dst(%dma_wait3A_13 : memref<8x1024xf32, #tpu.memory_space<hbm>>)
      tpu.yield
    }) : () -> ()
    return
  }
}

module attributes {stable_mosaic.version = 14 : i64} {
  func.func @_pass1_body(%arg0: i32, %arg1: memref<2048x1024xf32, #tpu.memory_space<vmem>>, %arg2: memref<1024x8xf32, #tpu.memory_space<vmem>>, %arg3: memref<8x1xf32, #tpu.memory_space<vmem>>, %arg4: memref<1024x64xbf16, #tpu.memory_space<vmem>>, %arg5: memref<8x2048xf32, #tpu.memory_space<vmem>>, %arg6: memref<2048x64xbf16, #tpu.memory_space<vmem>>) attributes {dimension_semantics = [#tpu.dimension_semantics<arbitrary>], iteration_bounds = array<i64: 16>, scalar_prefetch = 0 : i64, scratch_operands = 0 : i64, tpu.core_type = #tpu.core_type<tc>, window_params = [{transform_indices = @transform_0, window_bounds = array<i64: 2048, 1024>}, {pipeline_mode = #tpu.pipeline_mode<synchronous>, transform_indices = @transform_1, window_bounds = array<i64: 1024, 8>}, {pipeline_mode = #tpu.pipeline_mode<synchronous>, transform_indices = @transform_2, window_bounds = array<i64: 8, 1>}, {pipeline_mode = #tpu.pipeline_mode<synchronous>, transform_indices = @transform_3, window_bounds = array<i64: 1024, 64>}, {transform_indices = @transform_4, window_bounds = array<i64: 8, 2048>}, {transform_indices = @transform_5, window_bounds = array<i64: 2048, 64>}]} {
    %get3A = arith.constant 0 : index
    %get3A_0 = arith.constant 0 : index
    %get3A_1 = vector.load %arg1[%get3A, %get3A_0] : memref<2048x1024xf32, #tpu.memory_space<vmem>>, vector<2048x1024xf32>
    %get3A_2 = arith.constant 0 : index
    %get3A_3 = arith.constant 0 : index
    %get3A_4 = vector.load %arg2[%get3A_2, %get3A_3] : memref<1024x8xf32, #tpu.memory_space<vmem>>, vector<1024x8xf32>
    %dot_general3A = arith.constant dense<0.000000e+00> : vector<2048x8xf32>
    %dot_general3A_5 = tpu.matmul %get3A_1, %get3A_4, %dot_general3A {dimension_numbers = #tpu.dot_dimension_numbers<[1], [0], [0], [1], [0, 0, 1, 1], [], []>, transpose_lhs_hint = false} : vector<2048x1024xf32>, vector<1024x8xf32>, vector<2048x8xf32> -> vector<2048x8xf32>
    %transpose3A = tpu.transpose %dot_general3A_5, [1, 0] : vector<2048x8xf32> -> vector<8x2048xf32>
    %get3A_6 = arith.constant 0 : index
    %get3A_7 = arith.constant 0 : index
    %get3A_8 = vector.load %arg3[%get3A_6, %get3A_7] : memref<8x1xf32, #tpu.memory_space<vmem>>, vector<8x1xf32>
    %add3A = vector.broadcast %get3A_8 : vector<8x1xf32> to vector<8x2048xf32>
    %add3A_9 = arith.addf %transpose3A, %add3A : vector<8x2048xf32>
    %swap3A = arith.constant 0 : index
    %swap3A_10 = arith.constant 0 : index
    %swap3A_11 = vector.load %arg5[%swap3A, %swap3A_10] : memref<8x2048xf32, #tpu.memory_space<vmem>>, vector<8x2048xf32>
    tpu.vector_store %arg5[%swap3A, %swap3A_10], %add3A_9 {strides = array<i32>} : memref<8x2048xf32, #tpu.memory_space<vmem>>, vector<8x2048xf32>,
    %convert_element_type3A = arith.truncf %get3A_1 : vector<2048x1024xf32> to vector<2048x1024xbf16>
    %get3A_12 = arith.constant 0 : index
    %get3A_13 = arith.constant 0 : index
    %get3A_14 = vector.load %arg4[%get3A_12, %get3A_13] : memref<1024x64xbf16, #tpu.memory_space<vmem>>, vector<1024x64xbf16>
    %dot_general3A_15 = arith.constant dense<0.000000e+00> : vector<2048x64xf32>
    %dot_general3A_16 = tpu.matmul %convert_element_type3A, %get3A_14, %dot_general3A_15 {dimension_numbers = #tpu.dot_dimension_numbers<[1], [0], [0], [1], [0, 0, 1, 1], [], []>, transpose_lhs_hint = false} : vector<2048x1024xbf16>, vector<1024x64xbf16>, vector<2048x64xf32> -> vector<2048x64xf32>
    %convert_element_type3A_17 = arith.truncf %dot_general3A_16 : vector<2048x64xf32> to vector<2048x64xbf16>
    %swap3A_18 = arith.constant 0 : index
    %swap3A_19 = arith.constant 0 : index
    %swap3A_20 = vector.load %arg6[%swap3A_18, %swap3A_19] : memref<2048x64xbf16, #tpu.memory_space<vmem>>, vector<2048x64xbf16>
    tpu.vector_store %arg6[%swap3A_18, %swap3A_19], %convert_element_type3A_17 {strides = array<i32>} : memref<2048x64xbf16, #tpu.memory_space<vmem>>, vector<2048x64xbf16>,
    return
  }
  func.func @transform_0(%arg0: i32) -> (i32, i32) {
    %c0_i32 = arith.constant 0 : i32
    %c0_i32_0 = arith.constant 0 : i32
    return %arg0, %c0_i32 : i32, i32
  }
  func.func @transform_1(%arg0: i32) -> (i32, i32) {
    %c0_i32 = arith.constant 0 : i32
    %c0_i32_0 = arith.constant 0 : i32
    %c0_i32_1 = arith.constant 0 : i32
    return %c0_i32, %c0_i32_0 : i32, i32
  }
  func.func @transform_2(%arg0: i32) -> (i32, i32) {
    %c0_i32 = arith.constant 0 : i32
    %c0_i32_0 = arith.constant 0 : i32
    %c0_i32_1 = arith.constant 0 : i32
    return %c0_i32, %c0_i32_0 : i32, i32
  }
  func.func @transform_3(%arg0: i32) -> (i32, i32) {
    %c0_i32 = arith.constant 0 : i32
    %c0_i32_0 = arith.constant 0 : i32
    %c0_i32_1 = arith.constant 0 : i32
    return %c0_i32, %c0_i32_0 : i32, i32
  }
  func.func @transform_4(%arg0: i32) -> (i32, i32) {
    %c0_i32 = arith.constant 0 : i32
    %c0_i32_0 = arith.constant 0 : i32
    return %c0_i32, %arg0 : i32, i32
  }
  func.func @transform_5(%arg0: i32) -> (i32, i32) {
    %c0_i32 = arith.constant 0 : i32
    %c0_i32_0 = arith.constant 0 : i32
    return %arg0, %c0_i32 : i32, i32
  }
}

module attributes {stable_mosaic.version = 14 : i64} {
  func.func @_pass3_body(%arg0: i32, %arg1: memref<2048x64xbf16, #tpu.memory_space<vmem>>, %arg2: memref<8x2048xf32, #tpu.memory_space<vmem>>, %arg3: memref<8x64xf32, #tpu.memory_space<vmem>>, %arg4: memref<64x1024xbf16, #tpu.memory_space<vmem>>, %arg5: memref<2048x1024xf32, #tpu.memory_space<vmem>>) attributes {dimension_semantics = [#tpu.dimension_semantics<arbitrary>], iteration_bounds = array<i64: 16>, scalar_prefetch = 0 : i64, scratch_operands = 0 : i64, tpu.core_type = #tpu.core_type<tc>, window_params = [{transform_indices = @transform_0, window_bounds = array<i64: 2048, 64>}, {transform_indices = @transform_1, window_bounds = array<i64: 8, 2048>}, {pipeline_mode = #tpu.pipeline_mode<synchronous>, transform_indices = @transform_2, window_bounds = array<i64: 8, 64>}, {pipeline_mode = #tpu.pipeline_mode<synchronous>, transform_indices = @transform_3, window_bounds = array<i64: 64, 1024>}, {transform_indices = @transform_4, window_bounds = array<i64: 2048, 1024>}]} {
    %get3A = arith.constant 0 : index
    %get3A_0 = arith.constant 0 : index
    %get3A_1 = vector.load %arg2[%get3A, %get3A_0] : memref<8x2048xf32, #tpu.memory_space<vmem>>, vector<8x2048xf32>
    %get3A_2 = arith.constant 0 : index
    %get3A_3 = arith.constant 0 : index
    %get3A_4 = vector.load %arg3[%get3A_2, %get3A_3] : memref<8x64xf32, #tpu.memory_space<vmem>>, vector<8x64xf32>
    %dot_general3A = arith.constant dense<0.000000e+00> : vector<2048x64xf32>
    %dot_general3A_5 = tpu.matmul %get3A_1, %get3A_4, %dot_general3A {dimension_numbers = #tpu.dot_dimension_numbers<[0], [0], [1], [1], [0, 1, 1, 1], [], []>, transpose_lhs_hint = false} : vector<8x2048xf32>, vector<8x64xf32>, vector<2048x64xf32> -> vector<2048x64xf32>
    %get3A_6 = arith.constant 0 : index
    %get3A_7 = arith.constant 0 : index
    %get3A_8 = vector.load %arg1[%get3A_6, %get3A_7] : memref<2048x64xbf16, #tpu.memory_space<vmem>>, vector<2048x64xbf16>
    %convert_element_type3A = arith.extf %get3A_8 : vector<2048x64xbf16> to vector<2048x64xf32>
    %mul3A = arith.mulf %convert_element_type3A, %dot_general3A_5 : vector<2048x64xf32>
    %convert_element_type3A_9 = arith.truncf %mul3A : vector<2048x64xf32> to vector<2048x64xbf16>
    %get3A_10 = arith.constant 0 : index
    %get3A_11 = arith.constant 0 : index
    %get3A_12 = vector.load %arg4[%get3A_10, %get3A_11] : memref<64x1024xbf16, #tpu.memory_space<vmem>>, vector<64x1024xbf16>
    %dot_general3A_13 = arith.constant dense<0.000000e+00> : vector<2048x1024xf32>
    %dot_general3A_14 = tpu.matmul %convert_element_type3A_9, %get3A_12, %dot_general3A_13 {dimension_numbers = #tpu.dot_dimension_numbers<[1], [0], [0], [1], [0, 0, 1, 1], [], []>, transpose_lhs_hint = false} : vector<2048x64xbf16>, vector<64x1024xbf16>, vector<2048x1024xf32> -> vector<2048x1024xf32>
    %swap3A = arith.constant 0 : index
    %swap3A_15 = arith.constant 0 : index
    %swap3A_16 = vector.load %arg5[%swap3A, %swap3A_15] : memref<2048x1024xf32, #tpu.memory_space<vmem>>, vector<2048x1024xf32>
    tpu.vector_store %arg5[%swap3A, %swap3A_15], %dot_general3A_14 {strides = array<i32>} : memref<2048x1024xf32, #tpu.memory_space<vmem>>, vector<2048x1024xf32>,
    return
  }
  func.func @transform_0(%arg0: i32) -> (i32, i32) {
    %c0_i32 = arith.constant 0 : i32
    %c0_i32_0 = arith.constant 0 : i32
    return %arg0, %c0_i32 : i32, i32
  }
  func.func @transform_1(%arg0: i32) -> (i32, i32) {
    %c0_i32 = arith.constant 0 : i32
    %c0_i32_0 = arith.constant 0 : i32
    return %c0_i32, %arg0 : i32, i32
  }
  func.func @transform_2(%arg0: i32) -> (i32, i32) {
    %c0_i32 = arith.constant 0 : i32
    %c0_i32_0 = arith.constant 0 : i32
    %c0_i32_1 = arith.constant 0 : i32
    return %c0_i32, %c0_i32_0 : i32, i32
  }
  func.func @transform_3(%arg0: i32) -> (i32, i32) {
    %c0_i32 = arith.constant 0 : i32
    %c0_i32_0 = arith.constant 0 : i32
    %c0_i32_1 = arith.constant 0 : i32
    return %c0_i32, %c0_i32_0 : i32, i32
  }
  func.func @transform_4(%arg0: i32) -> (i32, i32) {
    %c0_i32 = arith.constant 0 : i32
    %c0_i32_0 = arith.constant 0 : i32
    return %arg0, %c0_i32 : i32, i32
  }
}

</mosaic_0001>

<sc_bundles>
// kernel: kernel.5.cloned.1.call-start
scs
__scs_entry_jumppad:
0x0: {  	(pc) =	sbr.rel $0x88, $3  }
0x1: {  	(tag) =	ssettag $0x0;
	lr =	simm.s32 $0x1  }
0x2: {  	[smem:$0x3F9C] =	sst lr;
	_ =	strace $0xD0000000  }
0x3: {  	_ = 	snop  }
0x4: {  	_ = 	snop  }
0x5: {  	_ = 	snop  }
0x6: {  	_ = 	snop  }
0x7: {  	_ = 	snop  }
__scs_overlays_trampoline_lowered:
0x8: {  	[smem:$0x3FAB] =	sst s0  }
0x9: {  	[smem:$0x3FAC] =	sst s1  }
0xa: {  	[smem:$0x3FAD] =	sst s2  }
0xb: {  	[smem:$0x3FAE] =	sst s3  }
0xc: {  	[smem:$0x3FAF] =	sst s4  }
0xd: {  	[smem:$0x3FB0] =	sst s5  }
0xe: {  	[smem:$0x3FB1] =	sst s6  }
0xf: {  	[smem:$0x3FB2] =	sst s7  }
0x10: {  	[smem:$0x3FB3] =	sst s8  }
0x11: {  	[smem:$0x3FB4] =	sst s9;
	s0 =	simm.s32 @!p0 $0x0  }
0x12: {  	s1 =	sld [smem:$0x3F9A];
	s0 =	simm.s32 @p0 $0x1  }
0x13: {  	[smem:$0x3FB5] =	sst s0;
	s0 =	simm.s32 @!p1 $0x0  }
0x14: {  	s2 =	sld [smem:$0x3F99];
	s0 =	simm.s32 @p1 $0x1  }
0x15: {  	[smem:$0x3FB6] =	sst s0;
	s0 =	simm.s32 @!p2 $0x0  }
0x16: {  	s3 =	sld [smem:$0x3FDB];
	s0 =	simm.s32 @p2 $0x1  }
0x17: {  	s4 =	simm.s32 $0x1BF5;
	[smem:$0x3FB8] =	sst s0  }
0x18: {  	s0 =	sld [smem:$0x3F9B];
	_ =	swait.ge [sflag:s4], $0x0  }
0x19: {  	s7 =	sld [smem:$0x3F9C]  }
0x1a: {  	s8 =	sadd.s32 $0xFFFFE003, lr  }
0x1b: {  	s9 =	sadd.s32 $0xFFFFFEF7, lr;
	s5 =	simm.s32 $0xFFFFFFFF;
	p2 =	slt.u32 s8, $0xFFFFF086  }
0x1c: {  	p1 =	slt.u32 s9, $0xF7A;
	s5 =	simm.s32 @!p2 $0x0  }
0x1d: {  	s5 =	simm.s32 @p1 $0x1;
	p0 =	seq.s32 s7, s2  }
0x1e: {  	s7 =	smul.u32 @!p0 $0xF7A, s2;
	p2 =	seq.s32 @!p0 s5, $0x0  }
0x1f: {  	s9 =	smul.u32 $0xF7A, s1;
	s8 =	simm.s32 @!p0 $0x1BF5;
	p2 =	por !p2, p0  }
0x20: {  	[sflag:s8] =	ssyncset.s32 @!p0 $0xFFFFF086;
	s6 =	sadd.s32 @!p0 s3, s7;
	s7 =	simm.s32 @!p0 $0x108  }
0x21: {  	s3 =	sadd.s32 s3, s9;
	s6 =	sadd.s32 @!p0 $0x88, s6;
	s7 =	simm.s32 @p2 $0x1082  }
0x22: {  	[simem:s7], [sflag:s8] =	dma.local @!p0 [hbm:s6], $0xF7A  }
0x23: {  	s9 =	sor.u32 $0xD0000000, s2;
	s6 =	simm.s32 $0x108;
	_ =	swait.ge @!p0 [sflag:s8], $0x0  }
0x24: {  	s3 =	sadd.s32 $0x88, s3;
	s6 =	simm.s32 @!p1 $0x1082;
	[sflag:s4] =	ssyncset.s32 $0xFFFFF086  }
0x25: {  	[simem:s6], [sflag:s4] =	dma.local [hbm:s3], $0xF7A  }
0x26: {  	[smem:$0x3F9C] =	sst s1;
	(tag) =	ssettag s2;
	_ =	strace s9  }
0x27: {  	s1 =	sld [smem:$0x3FAC]  }
0x28: {  	s2 =	sld [smem:$0x3FAD]  }
0x29: {  	s4 =	sld [smem:$0x3FAF]  }
0x2a: {  	p0 =	seq.s32 s5, $0x0;
	s5 =	sld [smem:$0x3FB0]  }
0x2b: {  	s6 =	sld [smem:$0x3FB1]  }
0x2c: {  	s7 =	sld [smem:$0x3FB2]  }
0x2d: {  	s3 =	simm.s32 $0x108;
	s8 =	sld [smem:$0x3FB3]  }
0x2e: {  	s3 =	simm.s32 @!p0 $0x1082;
	s9 =	sld [smem:$0x3FB4]  }
0x2f: {  	lr =	sadd.s32 s0, s3;
	s0 =	sld [smem:$0x3FAB]  }
0x30: {  	s3 =	sld [smem:$0x3FAE]  }
0x31: {  	[smem:$0x3FB7] =	sst s10  }
0x32: {  	s10 =	sld [smem:$0x3FB5];
	_ =	sdelay $0x3  }
0x33: {  	p0 =	seq.s32 s10, $0x1;
	s10 =	sld [smem:$0x3FB7];
	_ =	sdelay $0x3  }
0x34: {  	[smem:$0x3FB7] =	sst s10  }
0x35: {  	s10 =	sld [smem:$0x3FB6];
	_ =	sdelay $0x3  }
0x36: {  	p1 =	seq.s32 s10, $0x1;
	s10 =	sld [smem:$0x3FB7];
	_ =	sdelay $0x3  }
0x37: {  	[smem:$0x3FB7] =	sst s10  }
0x38: {  	s10 =	sld [smem:$0x3FB8]  }
0x39: {  	_ = 	snop;
	(pc) =	sbr.ind lr, $3  }
0x3a: {  	_ = 	snop  }
0x3b: {  	_ = 	snop  }
0x3c: {  	p2 =	seq.s32 s10, $0x1;
	s10 =	sld [smem:$0x3FB7]  }
0x3d: {  	_ =	shalt  }
0x3e: {  	_ =	shalt  }
0x3f: {  	_ =	shalt  }
0x40: {  	_ =	shalt  }
0x41: {  	_ =	shalt  }
0x42: {  	_ =	shalt  }
0x43: {  	_ =	shalt  }
0x44: {  	_ =	shalt  }
0x45: {  	_ =	shalt  }
0x46: {  	_ =	shalt  }
0x47: {  	_ =	shalt  }
0x48: {  	_ =	shalt  }
0x49: {  	_ =	shalt  }
0x4a: {  	_ =	shalt  }
0x4b: {  	_ =	shalt  }
0x4c: {  	_ =	shalt  }
0x4d: {  	_ =	shalt  }
0x4e: {  	_ =	shalt  }
0x4f: {  	_ =	shalt  }
0x50: {  	_ =	shalt  }
0x51: {  	_ =	shalt  }
0x52: {  	_ =	shalt  }
0x53: {  	_ =	shalt  }
0x54: {  	_ =	shalt  }
0x55: {  	_ =	shalt  }
0x56: {  	_ =	shalt  }
0x57: {  	_ =	shalt  }
0x58: {  	_ =	shalt  }
0x59: {  	_ =	shalt  }
0x5a: {  	_ =	shalt  }
0x5b: {  	_ =	shalt  }
0x5c: {  	_ =	shalt  }
0x5d: {  	_ =	shalt  }
0x5e: {  	_ =	shalt  }
0x5f: {  	_ =	shalt  }
0x60: {  	_ =	shalt  }
0x61: {  	_ =	shalt  }
0x62: {  	_ =	shalt  }
0x63: {  	_ =	shalt  }
0x64: {  	_ =	shalt  }
0x65: {  	_ =	shalt  }
0x66: {  	_ =	shalt  }
0x67: {  	_ =	shalt  }
0x68: {  	_ =	shalt  }
0x69: {  	_ =	shalt  }
0x6a: {  	_ =	shalt  }
0x6b: {  	_ =	shalt  }
0x6c: {  	_ =	shalt  }
0x6d: {  	_ =	shalt  }
0x6e: {  	_ =	shalt  }
0x6f: {  	_ =	shalt  }
0x70: {  	_ =	shalt  }
0x71: {  	_ =	shalt  }
0x72: {  	_ =	shalt  }
0x73: {  	_ =	shalt  }
0x74: {  	_ =	shalt  }
0x75: {  	_ =	shalt  }
0x76: {  	_ =	shalt  }
0x77: {  	_ =	shalt  }
0x78: {  	_ =	shalt  }
0x79: {  	_ =	shalt  }
0x7a: {  	_ =	shalt  }
0x7b: {  	_ =	shalt  }
0x7c: {  	_ =	shalt  }
0x7d: {  	_ =	shalt  }
0x7e: {  	_ =	shalt  }
0x7f: {  	_ =	shalt  }
0x80: {  	_ =	shalt  }
0x81: {  	_ =	shalt  }
0x82: {  	_ =	shalt  }
0x83: {  	_ =	shalt  }
0x84: {  	_ =	shalt  }
0x85: {  	_ =	shalt  }
0x86: {  	_ =	shalt  }
0x87: {  	_ =	shalt  }
.Lfunc_end0:
.L_simem_size_0:
called_computation_lowered:
.L_overlay_start_0:
0x88: {  	s2 =	sld [smem:$0x3FD9]  }
0x89: {  	s3 =	sld [smem:$0x3FFE];
	_ =	sdelay $0x1  }
0x8a: {  	s1 =	srdreg.scid  }
0x8b: {  	s0 =	sand.u32 $0x1, s1  }
0x8c: {  	s17 =	sshll.u32 s0, $0xA;
	s2 =	sadd.s32 s3, s2  }
0x8d: {  	s2 =	sadd.s32 s2, s17  }
0x8e: {  	[smem:$0x3FC3] =	sst s2  }
0x8f: {  	_ = 	snop  }
0x90: {  	s2 =	sld [smem:$0x3FD0];
	(tm) =	ssettm $0x1  }
0x91: {  	s18 =	sld [smem:$0x3FFB];
	_ =	sdelay $0x3  }
0x92: {  	_ =	strace s18  }
0x93: {  	s3 =	sld [smem:$0x3FFC];
	_ =	sdelay $0x3  }
0x94: {  	_ =	strace s3  }
0x95: {  	s3 =	sld [smem:$0x3FFD];
	_ =	sdelay $0x3  }
0x96: {  	_ =	strace s3  }
0x97: {  	_ =	strace $0x8FFFFFFF  }
0x98: {  	s19 =	sld [smem:$0x3FDB];
	_ =	sdelay $0x1  }
0x99: {  	s4 =	simm.s32 $_scs_section_size  }
0x9a: {  	s5 =	simm.s32 $_size__tile_overlayer_lowered;
	s6 =	simm.s32 $_tile_overlayer_lowered  }
0x9b: {  	s22 =	simm.s32 $0x1BFF;
	s21 =	sshll.u32 s6, $0x1;
	s3 =	sadd.s32 s4, s19  }
0x9c: {  	s7 =	simm.s32 $0x0;
	s20 =	sshll.u32 s5, $0x1;
	s5 =	sadd.s32 s21, s3  }
0x9d: {  	[timem:s7], [sflag:s22] =	dma.local [hbm:s5], s20  }
0x9e: {  	_ =	swait.ge [sflag:s22], s20  }
0x9f: {  	s4 =	ssub.s32 $0x0, s20;
	[sflag:s22] =	ssyncset.done $0x0  }
0xa0: {  	[sflag:s22] =	ssyncadd.s32 s4;
	_ =	sdelay $0x1  }
0xa1: {  	s23 =	simm.s32 $0x1B8B  }
0xa2: {  	_ =	swait.ge [sflag:s23], $0x1  }
0xa3: {  	[sflag:s23] =	ssyncset.done $0x0  }
0xa4: {  	s25 =	simm.s32 $0x1B8E;
	s24 =	sld [smem:$0x3FFE];
	[sflag:s23] =	ssyncadd.s32 $0xFFFFFFFF  }
0xa5: {  	s26 =	simm.s32 $execute0_lowered;
	[smem:$0x3FD2] =	sst s25  }
0xa6: {  	s5 =	sshll.u32 s26, $0x1;
	_ =	strace $0x80000046;
	[dreg:$0x1] =	wrdreg $0xFFFFFFFF  }
0xa7: {  	s28 =	simm.s32 $_size_execute0_lowered;
	s3 =	sadd.s32 s3, s5;
	[dreg:$0x0] =	wrdreg $0x0  }
0xa8: {  	s5 =	sshll.u32 s28, $0x1;
	[dreg:$0x2] =	wrdreg s3  }
0xa9: {  	[dreg:$0x3] =	wrdreg s5  }
0xaa: {  	[dreg:$0x4] =	wrdreg $0xC0  }
0xab: {  	_ =	task [dreg:s7], $0x5FFFF  }
0xac: {  	[dreg:$0x1] =	wrdreg $0xFFFFFFFF  }
0xad: {  	[dreg:$0x0] =	wrdreg $0x60  }
0xae: {  	[dreg:$0x2] =	wrdreg s2  }
0xaf: {  	[dreg:$0x3] =	wrdreg s24  }
0xb0: {  	[dreg:$0x4] =	wrdreg $0x9  }
0xb1: {  	_ =	task.clear_ibuf [dreg:s7], $0x5FFFF;
	_ =	strace $0x90000046  }
0xb2: {  	s29 =	simm.s32 $0x9;
	_ =	strace $0x80000048  }
0xb3: {  	_ =	swait.ge [sflag:s29], $0x1  }
0xb4: {  	[sflag:s29] =	ssyncadd.s32 $0xFFFFFFFF  }
0xb5: {  	_ =	strace $0x90000048  }
0xb6: {  	_ =	sfence  }
0xb7: {  	s30 =	sld [smem:$0x0];
	_ =	sdelay $0x2  }
0xb8: {  	s31 =	sshll.u32 s1, $0xD;
	s1 =	sshrl.u32 s1, $0x2  }
0xb9: {  	s3 =	sand.u32 $0x4000, s31;
	s1 =	sadd.s32 s1, s30  }
0xba: {  	s0 =	sor.u32 s3, s0;
	s1 =	sshll.u32 s1, $0x11  }
0xbb: {  	s0 =	sor.u32 s1, s0  }
0xbc: {  	s0 =	sadd.s32 $0x8F2B, s0  }
0xbd: {  	[sflag:s0] =	ssyncadd.remote.s32 $0x1  }
0xbe: {  	_ =	sfence.sel $0xFFFF  }
0xbf: {  	[dreg:$0x0] =	wrdreg $0xFFFFFFFF;
	(pc) =	sbr.abs _section_cstart, $3  }
0xc0: {  	[dreg:$0x1] =	wrdreg $0xFFFFFFFF  }
0xc1: {  	_ =	task.clear_ibuf [dreg:s7], $0x2FFFF;
	_ =	strace $0x9FFFFFFF  }
0xc2: {  	(tm) =	ssettm $0x7FFFFFFF  }
0xc3: {  	_ =	shalt  }
tec
execute0_lowered:
.L_overlay_start_1:
0x0: {  	(tag) =	ssettag $0x1  }
0x1: {  	s3 =	rddreg [dreg:$0x0]  }
0x2: {  	s4 =	rddreg [dreg:$0x1]  }
0x3: {  	s0 =	rddreg [dreg:$0x2];
	s5 =	srdreg.scid  }
0x4: {  	s2 =	simm.s32 $0x0;
	s1 =	stileid.u32;
	s8 =	simm.s32 $0x0  }
0x5: {  	s5 =	sand.u32 $0x1, s5;
	s6 =	sshll.u32 s1, $0xB;
	[smem:$0x7FF] =	sst s2  }
0x6: {  	s7 =	sshll.u32 s5, $0xA;
	s5 =	ssub.s32 $0x2, s5;
	_ =	strace $0x80000047  }
0x7: {  	s6 =	sor.u32 s7, s6;
	s31 =	sshrl.u32 s5, $0x1;
	s7 =	simm.s32 $0x2000  }
0x8: {  	s4 =	sadd.s32 s6, s4;
	s5 =	ssub.s32 s5, s31;
	s3 =	sadd.s32 s3, s6  }
0x9: {  	v0 =	vimm.s32 $0x8;
	s6 =	simm.s32 $0x1;
	s4 =	sadd.s32 $0xC00, s4;
	s5 =	smax.u32 s5, $0x1  }
.LBB2_1:
0xa: {  	[tilespmem:s2], [sflag:$0x1] =	stream.linear.gather [hbm4b:s3+s2], $0x2000, $0x38;
	[tilespmem:$0x4000] =	vst v63  }
0xb: {  	_ =	swait.ge [sflag:s6], $0x2000  }
0xc: {  	s9 =	sand.u32 $0x70, s2;
	s10 =	sand.u32 $0x1C00, s2;
	[sflag:s6] =	ssyncset.done $0x0  }
0xd: {  	s9 =	sor.u32 s9, s10;
	[sflag:s6] =	ssyncadd.s32 $0xFFFFE000  }
0xe: {  	v1 =	vld [tilespmem:s9+$0x0]  }
0xf: {  	v2 =	vld [tilespmem:s9+$0x80]  }
0x10: {  	v3 =	vld [tilespmem:s9+$0x100]  }
0x11: {  	v4 =	vld [tilespmem:s9+$0x180]  }
0x12: {  	v5 =	vld [tilespmem:s9+$0x200]  }
0x13: {  	s31 =	sor.u32 s2, s2;
	v6 =	vld [tilespmem:s9+$0x280]  }
0x14: {  	s10 =	sor.u32 $0x380, s31;
	v7 =	vld [tilespmem:s9+$0x300];
	v8 =	vmax.f32 v1, v2  }
0x15: {  	v9 =	vld [tilespmem:s10+$0x0];
	v8 =	vmax.f32 v8, v3  }
0x16: {  	v8 =	vmax.f32 v8, v4  }
0x17: {  	v8 =	vmax.f32 v8, v5  }
0x18: {  	v8 =	vmax.f32 v8, v6  }
0x19: {  	v8 =	vmax.f32 v8, v7  }
0x1a: {  	v8 =	vmax.f32 v8, v9  }
0x1b: {  	vm0 =	veq.f32 v9, v8  }
0x1c: {  	vm1 =	veq.f32 v7, v8;
	v10 =	vsel vm0, $0x7, v0  }
0x1d: {  	vm0 =	veq.f32 v6, v8;
	v10 =	vsel vm1, $0x6, v10  }
0x1e: {  	vm1 =	veq.f32 v5, v8;
	v10 =	vsel vm0, $0x5, v10  }
0x1f: {  	vm0 =	veq.f32 v4, v8;
	v10 =	vsel vm1, $0x4, v10  }
0x20: {  	vm1 =	veq.f32 v3, v8;
	v10 =	vsel vm0, $0x3, v10  }
0x21: {  	vm2 =	veq.f32 v2, v8;
	v10 =	vsel vm1, $0x2, v10  }
0x22: {  	vm0 =	vne.f32 v1, v8;
	v10 =	vsel vm2, $0x1, v10  }
0x23: {  	vm2 =	vmand vm0, vm2;
	v10 =	vnsel vm0, $0x0, v10  }
0x24: {  	v1 =	vnsel vm0, $0xFF800000, v1;
	v2 =	vsel vm2, $0xFF800000, v2;
	vm6 =	veq.s32 v10, $0x2  }
0x25: {  	vm3 =	veq.s32 v10, $0x3;
	v11 =	vmax.f32 v1, v2;
	v3 =	vsel vm6, $0xFF800000, v3  }
0x26: {  	vm7 =	veq.s32 v10, $0x4;
	v4 =	vsel vm3, $0xFF800000, v4;
	v11 =	vmax.f32 v11, v3  }
0x27: {  	vm4 =	veq.s32 v10, $0x5;
	v5 =	vsel vm7, $0xFF800000, v5;
	v11 =	vmax.f32 v11, v4  }
0x28: {  	vm5 =	veq.s32 v10, $0x6;
	v6 =	vsel vm4, $0xFF800000, v6;
	v11 =	vmax.f32 v11, v5  }
0x29: {  	vm1 =	veq.s32 v10, $0x7;
	v7 =	vsel vm5, $0xFF800000, v7;
	v63 =	vmax.f32 v11, v6  }
0x2a: {  	v9 =	vsel vm1, $0xFF800000, v9;
	v10 =	vmax.f32 v63, v7  }
0x2b: {  	v10 =	vmax.f32 v10, v9  }
0x2c: {  	v8 =	vsub.f32 v10, v8;
	_ =	sdelay $0x1  }
0x2d: {  	v8 =	vmul.f32 $1.442695020e+00, v8;
	_ =	sdelay $0x1  }
0x2e: {  	(erf) = vpow2.f32 v8;
	_ =	sdelay $0x8  }
0x2f: {  	v8 =	vpop (erf)  }
0x30: {  	v8 =	vadd.f32 $1.000000000e+00, v8  }
0x31: {  	vm8 =	veq.f32 v9, v10  }
0x32: {  	vm9 =	veq.f32 v7, v10;
	v7 =	vsel vm8, $0x7, v0;
	(erf) = vrcp.f32 v8  }
0x33: {  	vm8 =	veq.f32 v6, v10;
	v6 =	vsel vm9, $0x6, v7  }
0x34: {  	vm9 =	veq.f32 v5, v10;
	v5 =	vsel vm8, $0x5, v6  }
0x35: {  	vm8 =	veq.f32 v4, v10;
	v4 =	vsel vm9, $0x4, v5  }
0x36: {  	vm9 =	veq.f32 v3, v10;
	v3 =	vsel vm8, $0x3, v4  }
0x37: {  	vm8 =	veq.f32 v2, v10;
	v2 =	vsel vm9, $0x2, v3  }
0x38: {  	vm11 =	vne.f32 v1, v10;
	v1 =	vsel vm8, $0x1, v2;
	_ =	sdelay $0x1  }
0x39: {  	v3 =	vnsel vm11, $0x0, v1  }
0x3a: {  	vm12 =	vmand vm11, vm8;
	vm8 =	veq.s32 v3, $0x7;
	v1 =	vpop (erf)  }
0x3b: {  	vm9 =	veq.s32 v3, $0x5;
	vm10 =	veq.s32 v3, $0x6;
	v2 =	vsub.f32 $1.000000000e+00, v1  }
0x3c: {  	vm15 =	veq.s32 v3, $0x2;
	vm13 =	veq.s32 v3, $0x3;
	vm14 =	veq.s32 v3, $0x4  }
0x3d: {  	s11 =	simm.s32 $0x10;
	s12 =	simm.s32 $0x0;
	v3 =	vsel vm11, $0x0, v2;
	v4 =	vnsel vm12, $0x0, v2;
	v5 =	vnsel vm15, $0x0, v2  }
.LBB2_2:
0x3e: {  	p0 =	sne.s32 s11, $0x3F0  }
0x3f: {  	v5 =	vsel vm6, v1, v5;
	v6 =	vnsel vm13, $0x0, v2;
	v7 =	vnsel vm14, $0x0, v2;
	s12 =	sadd.s32 $0x80, s12;
	s13 =	smov.u32 s11;
	s11 =	sadd.s32 $0x10, s11  }
0x40: {  	v4 =	vsel vm2, v1, v4;
	[tilespmem:s9+$0x2100] =	vst v5;
	v5 =	vsel vm3, v1, v6;
	v6 =	vsel vm7, v1, v7  }
0x41: {  	v7 =	vnsel vm10, $0x0, v2;
	[tilespmem:s9+$0x2200] =	vst v6;
	v6 =	vnsel vm9, $0x0, v2;
	v2 =	vnsel vm8, $0x0, v2  }
0x42: {  	v3 =	vsel vm0, v3, v1;
	[tilespmem:s9+$0x2080] =	vst v4;
	v4 =	vsel vm4, v1, v6;
	v6 =	vsel vm5, v1, v7  }
0x43: {  	v1 =	vsel vm1, v1, v2;
	[tilespmem:s9+$0x2000] =	vst v3  }
0x44: {  	[tilespmem:s9+$0x2300] =	vst v6  }
0x45: {  	s14 =	sand.u32 $0x70, s13;
	s15 =	sand.u32 $0x1C00, s12;
	[tilespmem:s9+$0x2180] =	vst v5  }
0x46: {  	[tilespmem:s9+$0x2280] =	vst v4;
	s9 =	sor.u32 s14, s15  }
0x47: {  	[tilespmem:s10+$0x2000] =	vst v1  }
0x48: {  	v1 =	vld [tilespmem:s9+$0x0]  }
0x49: {  	v2 =	vld [tilespmem:s9+$0x80]  }
0x4a: {  	v3 =	vld [tilespmem:s9+$0x100]  }
0x4b: {  	v4 =	vld [tilespmem:s9+$0x180]  }
0x4c: {  	v5 =	vld [tilespmem:s9+$0x200]  }
0x4d: {  	s10 =	sor.u32 s12, s13;
	v6 =	vld [tilespmem:s9+$0x280]  }
0x4e: {  	s10 =	sor.u32 $0x380, s10;
	v7 =	vld [tilespmem:s9+$0x300];
	v8 =	vmax.f32 v1, v2  }
0x4f: {  	v9 =	vld [tilespmem:s10+$0x0];
	v8 =	vmax.f32 v8, v3  }
0x50: {  	v8 =	vmax.f32 v8, v4  }
0x51: {  	v8 =	vmax.f32 v8, v5  }
0x52: {  	v8 =	vmax.f32 v8, v6  }
0x53: {  	v8 =	vmax.f32 v8, v7  }
0x54: {  	v8 =	vmax.f32 v8, v9  }
0x55: {  	vm0 =	veq.f32 v3, v8;
	vm1 =	veq.f32 v4, v8;
	vm2 =	veq.f32 v9, v8  }
0x56: {  	vm3 =	veq.f32 v2, v8;
	vm4 =	veq.f32 v7, v8;
	v10 =	vsel vm2, $0x7, v0  }
0x57: {  	vm2 =	veq.f32 v6, v8;
	v10 =	vsel vm4, $0x6, v10  }
0x58: {  	vm4 =	veq.f32 v5, v8;
	v10 =	vsel vm2, $0x5, v10  }
0x59: {  	v10 =	vsel vm4, $0x4, v10  }
0x5a: {  	v10 =	vsel vm1, $0x3, v10  }
0x5b: {  	v10 =	vsel vm0, $0x2, v10  }
0x5c: {  	vm0 =	vne.f32 v1, v8;
	v10 =	vsel vm3, $0x1, v10  }
0x5d: {  	v1 =	vnsel vm0, $0xFF800000, v1;
	vm2 =	vmand vm0, vm3;
	v10 =	vnsel vm0, $0x0, v10  }
0x5e: {  	v2 =	vsel vm2, $0xFF800000, v2;
	vm6 =	veq.s32 v10, $0x2;
	vm1 =	veq.s32 v10, $0x7  }
0x5f: {  	vm3 =	veq.s32 v10, $0x3;
	v11 =	vmax.f32 v1, v2;
	v3 =	vsel vm6, $0xFF800000, v3  }
0x60: {  	vm7 =	veq.s32 v10, $0x4;
	v4 =	vsel vm3, $0xFF800000, v4;
	v11 =	vmax.f32 v11, v3  }
0x61: {  	vm4 =	veq.s32 v10, $0x5;
	v5 =	vsel vm7, $0xFF800000, v5;
	v11 =	vmax.f32 v11, v4  }
0x62: {  	vm5 =	veq.s32 v10, $0x6;
	v6 =	vsel vm4, $0xFF800000, v6;
	v10 =	vmax.f32 v11, v5  }
0x63: {  	v7 =	vsel vm5, $0xFF800000, v7;
	v10 =	vmax.f32 v10, v6  }
0x64: {  	v9 =	vsel vm1, $0xFF800000, v9;
	v10 =	vmax.f32 v10, v7  }
0x65: {  	v10 =	vmax.f32 v10, v9  }
0x66: {  	vm8 =	veq.f32 v6, v10;
	vm9 =	veq.f32 v9, v10;
	v6 =	vsub.f32 v10, v8  }
0x67: {  	vm10 =	veq.f32 v5, v10;
	vm11 =	veq.f32 v7, v10;
	v5 =	vsel vm9, $0x7, v0  }
0x68: {  	vm9 =	veq.f32 v2, v10;
	v2 =	vsel vm11, $0x6, v5;
	v5 =	vmul.f32 $1.442695020e+00, v6  }
0x69: {  	vm12 =	veq.f32 v4, v10;
	vm11 =	veq.f32 v3, v10;
	v2 =	vsel vm8, $0x5, v2  }
0x6a: {  	v2 =	vsel vm10, $0x4, v2;
	(erf) = vpow2.f32 v5  }
0x6b: {  	v2 =	vsel vm12, $0x3, v2  }
0x6c: {  	v2 =	vsel vm11, $0x2, v2  }
0x6d: {  	vm11 =	vne.f32 v1, v10;
	v1 =	vsel vm9, $0x1, v2  }
0x6e: {  	vm12 =	vmand vm11, vm9;
	v3 =	vnsel vm11, $0x0, v1;
	_ =	sdelay $0x4  }
0x6f: {  	v1 =	vpop (erf)  }
0x70: {  	v1 =	vadd.f32 $1.000000000e+00, v1;
	_ =	sdelay $0x1  }
0x71: {  	(erf) = vrcp.f32 v1;
	_ =	sdelay $0x7  }
.Ltmp0:
0x72: {  	(pc) =	sbr.rel @p0 .LBB2_2-.Ltmp0, $4  }
0x73: {  	vm8 =	veq.s32 v3, $0x7;
	v1 =	vpop (erf)  }
0x74: {  	vm9 =	veq.s32 v3, $0x5;
	vm10 =	veq.s32 v3, $0x6;
	v2 =	vsub.f32 $1.000000000e+00, v1  }
0x75: {  	vm15 =	veq.s32 v3, $0x2;
	vm13 =	veq.s32 v3, $0x3;
	vm14 =	veq.s32 v3, $0x4  }
0x76: {  	v3 =	vsel vm11, $0x0, v2;
	v4 =	vnsel vm12, $0x0, v2;
	v5 =	vnsel vm15, $0x0, v2  }
0x77: {  	v5 =	vsel vm6, v1, v5  }
0x78: {  	v4 =	vsel vm2, v1, v4;
	[tilespmem:s9+$0x2100] =	vst v5  }
0x79: {  	v6 =	vnsel vm14, $0x0, v2;
	v3 =	vsel vm0, v3, v1;
	[tilespmem:s9+$0x2080] =	vst v4  }
0x7a: {  	v61 =	vnsel vm10, $0x0, v2;
	v60 =	vsel vm7, v1, v6;
	[tilespmem:s9+$0x2000] =	vst v3  }
0x7b: {  	v62 =	vnsel vm13, $0x0, v2;
	v5 =	vsel vm5, v1, v61;
	[tilespmem:s9+$0x2200] =	vst v60  }
0x7c: {  	v63 =	vnsel vm9, $0x0, v2;
	v3 =	vsel vm3, v1, v62;
	[tilespmem:s9+$0x2300] =	vst v5  }
0x7d: {  	v2 =	vnsel vm8, $0x0, v2;
	s8 =	sadd.s32 $0x1, s8;
	v4 =	vsel vm4, v1, v63;
	[tilespmem:s9+$0x2180] =	vst v3  }
0x7e: {  	v1 =	vsel vm1, v1, v2;
	p0 =	sne.s32 s8, s5;
	[tilespmem:s9+$0x2280] =	vst v4  }
.Ltmp1:
0x7f: {  	[tilespmem:s10+$0x2000] =	vst v1;
	(pc) =	sbr.rel @p0 .LBB2_1-.Ltmp1, $4  }
0x80: {  	[hbm4b:s4+s2] =	stream.linear.scatter [tilespmem:s7], [sflag:$0x1], $0x2000, $0x38;
	[tilespmem:$0x4000] =	vst v63  }
0x81: {  	_ =	swait.ge [sflag:s6], $0x2000  }
0x82: {  	[sflag:s6] =	ssyncset.done $0x0  }
0x83: {  	[sflag:s6] =	ssyncadd.s32 $0xFFFFE000  }
0x84: {  	_ =	sfence.sel $0x180000  }
0x85: {  	[bflag:$0x0] =	sbarrier.arrive $0xFFFF  }
0x86: {  	p0 =	sne.s32 s1, $0x0;
	_ =	strace $0x90000047  }
0x87: {  	s0 =	sadd.s32 @!p0 $0x100000, s0;
	[bflag:$0x2] =	sbarrier.arrive $0xFFFF  }
0x88: {  	[sflag:s0] =	ssyncadd.tile.s32 @!p0 $0x1;
	_ =	shalt  }
.Lfunc_end2:
_tile_overlayer_lowered:
.L_overlay_start_2:
0x89: {  	(tag) =	ssettag $0x2  }
0x8a: {  	s0 =	rddreg [dreg:$0x0];
	s2 =	stileid.u32  }
0x8b: {  	s1 =	rddreg [dreg:$0x1];
	p0 =	sne.s32 s2, $0x0  }
0x8c: {  	s3 =	rddreg [dreg:$0x2];
	[bflag:$0x3] =	sbarrier.arrive $0xFFFF;
	s2 =	simm.s32 @!p0 $0x1C01  }
0x8d: {  	[timem:s3], [sflag:s2] =	dma.local @!p0 [hbm:s0], s1  }
0x8e: {  	s0 =	simm.s32 @!p0 $0x1  }
0x8f: {  	_ =	swait.ge @!p0 [sflag:s0], s1  }
0x90: {  	s1 =	ssub.s32 @!p0 $0x0, s1;
	[sflag:s0] =	ssyncset.done @!p0 $0x0  }
0x91: {  	[sflag:s0] =	ssyncadd.s32 @!p0 s1  }
0x92: {  	[bflag:$0x3] =	sbarrier.arrive $0xFFFF  }
0x93: {  	_ =	shalt  }

</sc_bundles>
